<compile_context>
chip_gen: v7x
topology: tpu7x:2x2x1
jax: 0.10.2.dev20260603
libtpu: 0.0.44.dev20260713+nightly
codegen_flags: <defaults>
</compile_context>

<pallas_src>
import functools
import jax
import jax.numpy as jnp
from jax import lax
from jax.experimental import pallas as pl
from jax.experimental.pallas import tpu as pltpu, tpu_sc as plsc

K = 3
BM = 1024


def _topk_body(ps_ref, posT_ref, idx_ref, w_ref):
    n = posT_ref.shape[1]
    bm = ps_ref.shape[1]

    pn = jnp.sum(posT_ref[...] * posT_ref[...], axis=0, keepdims=True)
    e = pn
    qn = jnp.zeros((bm, 1), dtype=jnp.float32)
    for c in range(3):
        q_c = ps_ref[c, :].reshape(bm, 1)
        p_c = posT_ref[c, :].reshape(1, n)
        e = e + q_c * (-2.0 * p_c)
        qn = qn + q_c * q_c

    iota = lax.broadcasted_iota(jnp.int32, (bm, n), 1)
    wsum = jnp.zeros((bm, 1), dtype=jnp.float32)
    ws = []
    for k in range(K):
        m_e = jnp.min(e, axis=1, keepdims=True)
        w_k = 1.0 / jnp.maximum(m_e + qn, 1e-16)
        hit = e == m_e
        i_k = jnp.min(jnp.where(hit, iota, n), axis=1, keepdims=True)
        idx_ref[:, k:k + 1] = i_k
        if k < K - 1:
            e = jnp.where(hit, jnp.inf, e)
        ws.append(w_k)
        wsum = wsum + w_k
    for k in range(K):
        w_ref[:, k:k + 1] = ws[k] / wsum


def _topk(pos_skipT, posT, m):
    n = posT.shape[1]
    return pl.pallas_call(
        _topk_body,
        grid=(m // BM,),
        in_specs=[
            pl.BlockSpec((3, BM), lambda i: (0, i)),
            pl.BlockSpec((3, n), lambda i: (0, 0)),
        ],
        out_specs=[
            pl.BlockSpec((BM, K), lambda i: (i, 0)),
            pl.BlockSpec((BM, K), lambda i: (i, 0)),
        ],
        out_shape=[
            jax.ShapeDtypeStruct((m, K), jnp.int32),
            jax.ShapeDtypeStruct((m, K), jnp.float32),
        ],
    )(pos_skipT, posT)


def _make_sc_gather(v, d_feat, b):
    info = plsc.get_sparse_core_info()
    nw = info.num_cores * info.num_subcores
    b_per_w = b // nw
    chunk = 192
    nchunks = b_per_w // chunk
    mesh = plsc.VectorSubcoreMesh(core_axis_name="c", subcore_axis_name="s")

    @functools.partial(
        pl.kernel, mesh=mesh,
        out_type=jax.ShapeDtypeStruct((b, d_feat), jnp.float32),
        scratch_types=[
            pltpu.VMEM((chunk,), jnp.int32),
            pltpu.VMEM((chunk, d_feat), jnp.float32),
            pltpu.SemaphoreType.DMA,
        ],
    )
    def gather_kernel(table_hbm, idx_hbm, out_hbm, idx_v, rows_v, sem):
        wid = lax.axis_index("s") * info.num_cores + lax.axis_index("c")
        base = wid * b_per_w

        def body(ci, _):
            off = base + ci * chunk
            pltpu.sync_copy(idx_hbm.at[pl.ds(off, chunk)], idx_v)
            pltpu.async_copy(table_hbm.at[idx_v], rows_v, sem).wait()
            pltpu.sync_copy(rows_v, out_hbm.at[pl.ds(off, chunk)])
            return ()

        lax.fori_loop(0, nchunks, body, (), unroll=False)

    return gather_kernel


def _combine_body(f_ref, w_ref, w1_ref, b1_ref, w2_ref, b2_ref, out_ref):
    interp = (f_ref[:, 0, :] * w_ref[:, 0:1]
              + f_ref[:, 1, :] * w_ref[:, 1:2]
              + f_ref[:, 2, :] * w_ref[:, 2:3])
    h1 = jnp.dot(interp, w1_ref[...], preferred_element_type=jnp.float32)
    h1 = jnp.maximum(h1 + b1_ref[...], 0.0)
    h2 = jnp.dot(h1, w2_ref[...], preferred_element_type=jnp.float32)
    out_ref[...] = h2 + b2_ref[...]


def _combine(feats, w, W1, b1, W2, b2, m, d_feat, h_feat):
    return pl.pallas_call(
        _combine_body,
        grid=(m // BM,),
        in_specs=[
            pl.BlockSpec((BM, K, d_feat), lambda i: (i, 0, 0)),
            pl.BlockSpec((BM, K), lambda i: (i, 0)),
            pl.BlockSpec((d_feat, h_feat), lambda i: (0, 0)),
            pl.BlockSpec((1, h_feat), lambda i: (0, 0)),
            pl.BlockSpec((h_feat, h_feat), lambda i: (0, 0)),
            pl.BlockSpec((1, h_feat), lambda i: (0, 0)),
        ],
        out_specs=pl.BlockSpec((BM, h_feat), lambda i: (i, 0)),
        out_shape=jax.ShapeDtypeStruct((m, h_feat), jnp.float32),
    )(feats, w, W1, b1.reshape(1, -1), W2, b2.reshape(1, -1))


def kernel(x, pos, x_skip, pos_skip, assign_index, W1, b1, W2, b2):
    del x_skip, assign_index
    n, d_feat = x.shape
    m = pos_skip.shape[0]
    h_feat = W2.shape[1]

    posT = pos.T
    pos_skipT = pos_skip.T

    idx, w = _topk(pos_skipT, posT, m)
    idx_flat = idx.reshape(m * K)

    feats_flat = _make_sc_gather(n, d_feat, m * K)(x, idx_flat)
    feats = feats_flat.reshape(m, K, d_feat)

    out = _combine(feats, w, W1, b1, W2, b2, m, d_feat, h_feat)
    return (out, pos_skip)

# --- scband reference (transcript-rebuilt; emitter-appended) ---
"""Pipeline reference for scband-fpmodule-13348758356091 (READ-ONLY COPY).

The authoritative reference and input builder live on the scoring server;
editing this copy changes nothing except your own understanding.
"""

import jax, jax.numpy as jnp
import numpy as np

K = 3

def knn_interpolate(x, pos, pos_skip, k):
    # squared distances [M, N] from each fine point to each coarse point
    d = jnp.sum((pos_skip[:, None, :] - pos[None, :, :]) ** 2, axis=-1)
    neg_d, idx = jax.lax.top_k(-d, k)
    sq_dist = -neg_d
    w = 1.0 / jnp.maximum(sq_dist, 1e-16)
    feats = jnp.take(x, idx, axis=0)  # [M, k, D]
    out = jnp.sum(feats * w[..., None], axis=1) / jnp.sum(w, axis=1, keepdims=True)
    return out

def setup_inputs(seed: int = 0):
    key = jax.random.key(seed)
    ks = jax.random.split(key, 8)
    N, M, D, H = 4096, 16384, 512, 512
    x = jax.random.normal(ks[0], (N, D), dtype=jnp.float32)
    pos = jax.random.normal(ks[1], (N, 3), dtype=jnp.float32)
    x_skip = jax.random.normal(ks[2], (M, D), dtype=jnp.float32)
    pos_skip = jax.random.normal(ks[3], (M, 3), dtype=jnp.float32)
    assign_index = jax.random.randint(ks[4], (2, 65536), 0, N, dtype=jnp.int32)
    W1 = 0.02 * jax.random.normal(ks[5], (D, H), dtype=jnp.float32)
    b1 = jnp.zeros((H,), dtype=jnp.float32)
    W2 = 0.02 * jax.random.normal(ks[6], (H, H), dtype=jnp.float32)
    b2 = jnp.zeros((H,), dtype=jnp.float32)
    return {"x": x, "pos": pos, "x_skip": x_skip, "pos_skip": pos_skip,
            "assign_index": assign_index, "W1": W1, "b1": b1, "W2": W2, "b2": b2}

def reference(x, pos, x_skip, pos_skip, assign_index, W1, b1, W2, b2):
    # FPModule: knn-interpolate coarse features x at pos onto fine pos_skip, then MLP.
    # (x_skip and assign_index are carried through the signature but unused by the
    #  module's effective forward computation.)
    h = knn_interpolate(x, pos, pos_skip, K)
    h = jnp.maximum(h @ W1 + b1, 0.0)
    h = h @ W2 + b2
    return (h, pos_skip)

if __name__ == "__main__":
    import jax
    _d = setup_inputs()
    print(jax.jit(kernel)(*tuple(_d.values())))

</pallas_src>

<mosaic_0001>
#map = affine_map<(d0, d1) -> (0, 0)>
#map1 = affine_map<(d0, d1) -> (0)>
module attributes {stable_mosaic.version = 14 : i64} {
  func.func @gather_kernel(%arg0: i32, %arg1: i32, %arg2: memref<4096x512xf32, #tpu.memory_space<hbm>>, %arg3: memref<49152xi32, #tpu.memory_space<hbm>>, %arg4: memref<49152x512xf32, #tpu.memory_space<hbm>>, %arg5: memref<192xi32, #tpu.memory_space<vmem>>, %arg6: memref<192x512xf32, #tpu.memory_space<vmem>>, %arg7: memref<!tpu.dma_semaphore, #tpu.memory_space<semaphore_mem>>) attributes {dimension_semantics = [#tpu.dimension_semantics<core_parallel>, #tpu.dimension_semantics<subcore_parallel>], iteration_bounds = array<i64: 2, 16>, scalar_prefetch = 0 : i64, scratch_operands = 3 : i64, tpu.core_type = #tpu.core_type<sc_vector_subcore>, window_params = [{transform_indices = #map}, {transform_indices = #map1}, {transform_indices = #map}]} {
    %mul3A = arith.constant 2 : i32
    %mul3A_0 = arith.muli %arg1, %mul3A : i32
    %add3A = arith.addi %mul3A_0, %arg0 : i32
    %mul3A_1 = arith.constant 1536 : i32
    %mul3A_2 = arith.muli %add3A, %mul3A_1 : i32
    %scan3A = arith.constant 0 : i32
    %scan3A_3 = arith.constant 8 : i32
    %scan3A_4 = arith.addi %scan3A, %scan3A_3 : i32
    %scan3A_5 = arith.constant 1 : i32
    scf.for %scan3A_7 = %scan3A to %scan3A_4 step %scan3A_5  : i32 {
      %mul3A_8 = arith.constant 192 : i32
      %mul3A_9 = arith.muli %scan3A_7, %mul3A_8 : i32
      %add3A_10 = arith.addi %mul3A_2, %mul3A_9 : i32
      "tpu.region"() ({
        %run_scoped3A = tpu.sem_alloc : memref<!tpu.dma_semaphore, #tpu.memory_space<semaphore_mem>>
        %dma_start3A_15 = tpu.memref_slice %arg3[%add3A_10] : memref<49152xi32, #tpu.memory_space<hbm>> -> memref<192xi32, #tpu.memory_space<hbm>>
        %dma_start3A_16 = tpu.memref_slice %arg3[%add3A_10] : memref<49152xi32, #tpu.memory_space<hbm>> -> memref<192xi32, #tpu.memory_space<hbm>>
        tpu.enqueue_dma source(%dma_start3A_16 : memref<192xi32, #tpu.memory_space<hbm>>) target(%arg5 : memref<192xi32, #tpu.memory_space<vmem>>) target_semaphore(%run_scoped3A : memref<!tpu.dma_semaphore, #tpu.memory_space<semaphore_mem>>)
        %dma_wait3A_17 = tpu.memref_slice %arg3[%add3A_10] : memref<49152xi32, #tpu.memory_space<hbm>> -> memref<192xi32, #tpu.memory_space<hbm>>
        %dma_wait3A_18 = tpu.memref_slice %arg3[%add3A_10] : memref<49152xi32, #tpu.memory_space<hbm>> -> memref<192xi32, #tpu.memory_space<hbm>>
        tpu.wait_dma2 semaphore(%run_scoped3A : memref<!tpu.dma_semaphore, #tpu.memory_space<semaphore_mem>>) src(%dma_wait3A_18 : memref<192xi32, #tpu.memory_space<hbm>>) dst(%arg5 : memref<192xi32, #tpu.memory_space<vmem>>)
        tpu.yield
      }) : () -> ()
      %dma_start3A = arith.constant 0 : i32
      %dma_start3A_11 = arith.constant 0 : i32
      %dma_start3A_12 = tpu.memref_slice %arg2[%dma_start3A, %dma_start3A_11] : memref<4096x512xf32, #tpu.memory_space<hbm>> -> memref<4096x512xf32, #tpu.memory_space<hbm>>
      tpu.enqueue_indirect_dma source(%dma_start3A_12 : memref<4096x512xf32, #tpu.memory_space<hbm>>) target(%arg6 : memref<192x512xf32, #tpu.memory_space<vmem>>) offsets(%arg5 : memref<192xi32, #tpu.memory_space<vmem>>) semaphore(%arg7 : memref<!tpu.dma_semaphore, #tpu.memory_space<semaphore_mem>>)
      %dma_wait3A = arith.constant 0 : i32
      %dma_wait3A_13 = arith.constant 0 : i32
      %dma_wait3A_14 = tpu.memref_slice %arg2[%dma_wait3A, %dma_wait3A_13] : memref<4096x512xf32, #tpu.memory_space<hbm>> -> memref<4096x512xf32, #tpu.memory_space<hbm>>
      tpu.wait_indirect_dma semaphore(%arg7 : memref<!tpu.dma_semaphore, #tpu.memory_space<semaphore_mem>>) src(%dma_wait3A_14 : memref<4096x512xf32, #tpu.memory_space<hbm>>) dst(%arg6 : memref<192x512xf32, #tpu.memory_space<vmem>>)
      "tpu.region"() ({
        %run_scoped3A = tpu.sem_alloc : memref<!tpu.dma_semaphore, #tpu.memory_space<semaphore_mem>>
        %dma_start3A_15 = arith.constant 0 : i32
        %dma_start3A_16 = tpu.memref_slice %arg4[%add3A_10, %dma_start3A_15] : memref<49152x512xf32, #tpu.memory_space<hbm>> -> memref<192x512xf32, #tpu.memory_space<hbm>>
        %dma_start3A_17 = arith.constant 0 : i32
        %dma_start3A_18 = tpu.memref_slice %arg4[%add3A_10, %dma_start3A_17] : memref<49152x512xf32, #tpu.memory_space<hbm>> -> memref<192x512xf32, #tpu.memory_space<hbm>>
        tpu.enqueue_dma source(%arg6 : memref<192x512xf32, #tpu.memory_space<vmem>>) target(%dma_start3A_18 : memref<192x512xf32, #tpu.memory_space<hbm>>) target_semaphore(%run_scoped3A : memref<!tpu.dma_semaphore, #tpu.memory_space<semaphore_mem>>)
        %dma_wait3A_19 = arith.constant 0 : i32
        %dma_wait3A_20 = tpu.memref_slice %arg4[%add3A_10, %dma_wait3A_19] : memref<49152x512xf32, #tpu.memory_space<hbm>> -> memref<192x512xf32, #tpu.memory_space<hbm>>
        %dma_wait3A_21 = arith.constant 0 : i32
        %dma_wait3A_22 = tpu.memref_slice %arg4[%add3A_10, %dma_wait3A_21] : memref<49152x512xf32, #tpu.memory_space<hbm>> -> memref<192x512xf32, #tpu.memory_space<hbm>>
        tpu.wait_dma2 semaphore(%run_scoped3A : memref<!tpu.dma_semaphore, #tpu.memory_space<semaphore_mem>>) src(%arg6 : memref<192x512xf32, #tpu.memory_space<vmem>>) dst(%dma_wait3A_22 : memref<192x512xf32, #tpu.memory_space<hbm>>)
        tpu.yield
      }) : () -> ()
    }
    %scan3A_6 = arith.constant 8 : i32
    return
  }
}

module attributes {stable_mosaic.version = 14 : i64} {
  func.func @_topk_body(%arg0: i32, %arg1: memref<3x1024xf32, #tpu.memory_space<vmem>>, %arg2: memref<3x4096xf32, #tpu.memory_space<vmem>>, %arg3: memref<1024x3xi32, #tpu.memory_space<vmem>>, %arg4: memref<1024x3xf32, #tpu.memory_space<vmem>>) attributes {dimension_semantics = [#tpu.dimension_semantics<arbitrary>], iteration_bounds = array<i64: 16>, scalar_prefetch = 0 : i64, scratch_operands = 0 : i64, tpu.core_type = #tpu.core_type<tc>, window_params = [{transform_indices = @transform_0, window_bounds = array<i64: 3, 1024>}, {pipeline_mode = #tpu.pipeline_mode<synchronous>, transform_indices = @transform_1, window_bounds = array<i64: 3, 4096>}, {transform_indices = @transform_2, window_bounds = array<i64: 1024, 3>}, {transform_indices = @transform_3, window_bounds = array<i64: 1024, 3>}]} {
    %get3A = arith.constant 0 : index
    %get3A_0 = arith.constant 0 : index
    %get3A_1 = vector.load %arg2[%get3A, %get3A_0] : memref<3x4096xf32, #tpu.memory_space<vmem>>, vector<3x4096xf32>
    %get3A_2 = arith.constant 0 : index
    %get3A_3 = arith.constant 0 : index
    %get3A_4 = vector.load %arg2[%get3A_2, %get3A_3] : memref<3x4096xf32, #tpu.memory_space<vmem>>, vector<3x4096xf32>
    %mul3A = arith.mulf %get3A_1, %get3A_4 : vector<3x4096xf32>
    %reduce_sum3A = arith.constant dense<0.000000e+00> : vector<4096xf32>
    %reduce_sum3A_5 = vector.multi_reduction <add>, %mul3A, %reduce_sum3A [0] : vector<3x4096xf32> to vector<4096xf32>
    %broadcast_in_dim3A = vector.shape_cast %reduce_sum3A_5 : vector<4096xf32> to vector<1x4096xf32>
    %broadcast_in_dim3A_6 = arith.constant 0.000000e+00 : f32
    %broadcast_in_dim3A_7 = vector.broadcast %broadcast_in_dim3A_6 : f32 to vector<1024x1xf32>
    %get3A_8 = arith.constant 0 : index
    %get3A_9 = arith.constant 0 : index
    %get3A_10 = vector.load %arg1[%get3A_8, %get3A_9] : memref<3x1024xf32, #tpu.memory_space<vmem>>, vector<1x1024xf32>
    %get3A_11 = vector.shape_cast %get3A_10 : vector<1x1024xf32> to vector<1024xf32>
    %reshape3A = vector.shape_cast %get3A_11 : vector<1024xf32> to vector<1024x1xf32>
    %get3A_12 = arith.constant 0 : index
    %get3A_13 = arith.constant 0 : index
    %get3A_14 = vector.load %arg2[%get3A_12, %get3A_13] : memref<3x4096xf32, #tpu.memory_space<vmem>>, vector<1x4096xf32>
    %get3A_15 = vector.shape_cast %get3A_14 : vector<1x4096xf32> to vector<4096xf32>
    %reshape3A_16 = vector.shape_cast %get3A_15 : vector<4096xf32> to vector<1x4096xf32>
    %mul3A_17 = arith.constant -2.000000e+00 : f32
    %mul3A_18 = vector.broadcast %mul3A_17 : f32 to vector<1x4096xf32>
    %mul3A_19 = arith.mulf %mul3A_18, %reshape3A_16 : vector<1x4096xf32>
    %mul3A_20 = vector.broadcast %reshape3A : vector<1024x1xf32> to vector<1024x4096xf32>
    %mul3A_21 = vector.broadcast %mul3A_19 : vector<1x4096xf32> to vector<1024x4096xf32>
    %mul3A_22 = arith.mulf %mul3A_20, %mul3A_21 : vector<1024x4096xf32>
    %add3A = vector.broadcast %broadcast_in_dim3A : vector<1x4096xf32> to vector<1024x4096xf32>
    %add3A_23 = arith.addf %add3A, %mul3A_22 : vector<1024x4096xf32>
    %mul3A_24 = arith.mulf %reshape3A, %reshape3A : vector<1024x1xf32>
    %add3A_25 = arith.addf %broadcast_in_dim3A_7, %mul3A_24 : vector<1024x1xf32>
    %get3A_26 = arith.constant 1 : index
    %get3A_27 = arith.constant 0 : index
    %get3A_28 = vector.load %arg1[%get3A_26, %get3A_27] : memref<3x1024xf32, #tpu.memory_space<vmem>>, vector<1x1024xf32>
    %get3A_29 = vector.shape_cast %get3A_28 : vector<1x1024xf32> to vector<1024xf32>
    %reshape3A_30 = vector.shape_cast %get3A_29 : vector<1024xf32> to vector<1024x1xf32>
    %get3A_31 = arith.constant 1 : index
    %get3A_32 = arith.constant 0 : index
    %get3A_33 = vector.load %arg2[%get3A_31, %get3A_32] : memref<3x4096xf32, #tpu.memory_space<vmem>>, vector<1x4096xf32>
    %get3A_34 = vector.shape_cast %get3A_33 : vector<1x4096xf32> to vector<4096xf32>
    %reshape3A_35 = vector.shape_cast %get3A_34 : vector<4096xf32> to vector<1x4096xf32>
    %mul3A_36 = arith.constant -2.000000e+00 : f32
    %mul3A_37 = vector.broadcast %mul3A_36 : f32 to vector<1x4096xf32>
    %mul3A_38 = arith.mulf %mul3A_37, %reshape3A_35 : vector<1x4096xf32>
    %mul3A_39 = vector.broadcast %reshape3A_30 : vector<1024x1xf32> to vector<1024x4096xf32>
    %mul3A_40 = vector.broadcast %mul3A_38 : vector<1x4096xf32> to vector<1024x4096xf32>
    %mul3A_41 = arith.mulf %mul3A_39, %mul3A_40 : vector<1024x4096xf32>
    %add3A_42 = arith.addf %add3A_23, %mul3A_41 : vector<1024x4096xf32>
    %mul3A_43 = arith.mulf %reshape3A_30, %reshape3A_30 : vector<1024x1xf32>
    %add3A_44 = arith.addf %add3A_25, %mul3A_43 : vector<1024x1xf32>
    %get3A_45 = arith.constant 2 : index
    %get3A_46 = arith.constant 0 : index
    %get3A_47 = vector.load %arg1[%get3A_45, %get3A_46] : memref<3x1024xf32, #tpu.memory_space<vmem>>, vector<1x1024xf32>
    %get3A_48 = vector.shape_cast %get3A_47 : vector<1x1024xf32> to vector<1024xf32>
    %reshape3A_49 = vector.shape_cast %get3A_48 : vector<1024xf32> to vector<1024x1xf32>
    %get3A_50 = arith.constant 2 : index
    %get3A_51 = arith.constant 0 : index
    %get3A_52 = vector.load %arg2[%get3A_50, %get3A_51] : memref<3x4096xf32, #tpu.memory_space<vmem>>, vector<1x4096xf32>
    %get3A_53 = vector.shape_cast %get3A_52 : vector<1x4096xf32> to vector<4096xf32>
    %reshape3A_54 = vector.shape_cast %get3A_53 : vector<4096xf32> to vector<1x4096xf32>
    %mul3A_55 = arith.constant -2.000000e+00 : f32
    %mul3A_56 = vector.broadcast %mul3A_55 : f32 to vector<1x4096xf32>
    %mul3A_57 = arith.mulf %mul3A_56, %reshape3A_54 : vector<1x4096xf32>
    %mul3A_58 = vector.broadcast %reshape3A_49 : vector<1024x1xf32> to vector<1024x4096xf32>
    %mul3A_59 = vector.broadcast %mul3A_57 : vector<1x4096xf32> to vector<1024x4096xf32>
    %mul3A_60 = arith.mulf %mul3A_58, %mul3A_59 : vector<1024x4096xf32>
    %add3A_61 = arith.addf %add3A_42, %mul3A_60 : vector<1024x4096xf32>
    %mul3A_62 = arith.mulf %reshape3A_49, %reshape3A_49 : vector<1024x1xf32>
    %add3A_63 = arith.addf %add3A_44, %mul3A_62 : vector<1024x1xf32>
    %iota3A = tpu.iota {dimensions = array<i32: 1>} : vector<1024x4096xi32>
    %broadcast_in_dim3A_64 = arith.constant 0.000000e+00 : f32
    %broadcast_in_dim3A_65 = vector.broadcast %broadcast_in_dim3A_64 : f32 to vector<1024x1xf32>
    %reduce_min3A = arith.constant dense<0x7F800000> : vector<1024xf32>
    %reduce_min3A_66 = vector.multi_reduction <minimumf>, %add3A_61, %reduce_min3A [1] : vector<1024x4096xf32> to vector<1024xf32>
    %broadcast_in_dim3A_67 = vector.shape_cast %reduce_min3A_66 : vector<1024xf32> to vector<1024x1xf32>
    %add3A_68 = arith.addf %broadcast_in_dim3A_67, %add3A_63 : vector<1024x1xf32>
    %max3A = arith.constant 1.000000e-16 : f32
    %max3A_69 = vector.broadcast %max3A : f32 to vector<1024x1xf32>
    %max3A_70 = arith.maximumf %add3A_68, %max3A_69 : vector<1024x1xf32>
    %div3A = arith.constant 1.000000e+00 : f32
    %div3A_71 = vector.broadcast %div3A : f32 to vector<1024x1xf32>
    %div3A_72 = arith.divf %div3A_71, %max3A_70 : vector<1024x1xf32>
    %eq3A = vector.broadcast %broadcast_in_dim3A_67 : vector<1024x1xf32> to vector<1024x4096xf32>
    %eq3A_73 = arith.cmpf oeq, %add3A_61, %eq3A : vector<1024x4096xf32>
    %jit3A = arith.constant 4096 : i32
    %broadcast_in_dim3A_74 = vector.broadcast %jit3A : i32 to vector<1024x4096xi32>
    %select_n3A = arith.select %eq3A_73, %iota3A, %broadcast_in_dim3A_74 : vector<1024x4096xi1>, vector<1024x4096xi32>
    %reduce_min3A_75 = arith.constant dense<2147483647> : vector<1024xi32>
    %reduce_min3A_76 = vector.multi_reduction <minsi>, %select_n3A, %reduce_min3A_75 [1] : vector<1024x4096xi32> to vector<1024xi32>
    %broadcast_in_dim3A_77 = vector.shape_cast %reduce_min3A_76 : vector<1024xi32> to vector<1024x1xi32>
    %swap3A = arith.constant 0 : index
    %swap3A_78 = arith.constant 0 : index
    %swap3A_79 = vector.load %arg3[%swap3A, %swap3A_78] : memref<1024x3xi32, #tpu.memory_space<vmem>>, vector<1024x1xi32>
    tpu.vector_store %arg3[%swap3A, %swap3A_78], %broadcast_in_dim3A_77 {strides = array<i32>} : memref<1024x3xi32, #tpu.memory_space<vmem>>, vector<1024x1xi32>,
    %jit3A_80 = arith.constant 0x7F800000 : f32
    %broadcast_in_dim3A_81 = vector.broadcast %jit3A_80 : f32 to vector<1024x4096xf32>
    %select_n3A_82 = arith.select %eq3A_73, %broadcast_in_dim3A_81, %add3A_61 : vector<1024x4096xi1>, vector<1024x4096xf32>
    %add3A_83 = arith.addf %broadcast_in_dim3A_65, %div3A_72 : vector<1024x1xf32>
    %reduce_min3A_84 = arith.constant dense<0x7F800000> : vector<1024xf32>
    %reduce_min3A_85 = vector.multi_reduction <minimumf>, %select_n3A_82, %reduce_min3A_84 [1] : vector<1024x4096xf32> to vector<1024xf32>
    %broadcast_in_dim3A_86 = vector.shape_cast %reduce_min3A_85 : vector<1024xf32> to vector<1024x1xf32>
    %add3A_87 = arith.addf %broadcast_in_dim3A_86, %add3A_63 : vector<1024x1xf32>
    %max3A_88 = arith.constant 1.000000e-16 : f32
    %max3A_89 = vector.broadcast %max3A_88 : f32 to vector<1024x1xf32>
    %max3A_90 = arith.maximumf %add3A_87, %max3A_89 : vector<1024x1xf32>
    %div3A_91 = arith.constant 1.000000e+00 : f32
    %div3A_92 = vector.broadcast %div3A_91 : f32 to vector<1024x1xf32>
    %div3A_93 = arith.divf %div3A_92, %max3A_90 : vector<1024x1xf32>
    %eq3A_94 = vector.broadcast %broadcast_in_dim3A_86 : vector<1024x1xf32> to vector<1024x4096xf32>
    %eq3A_95 = arith.cmpf oeq, %select_n3A_82, %eq3A_94 : vector<1024x4096xf32>
    %jit3A_96 = arith.constant 4096 : i32
    %broadcast_in_dim3A_97 = vector.broadcast %jit3A_96 : i32 to vector<1024x4096xi32>
    %select_n3A_98 = arith.select %eq3A_95, %iota3A, %broadcast_in_dim3A_97 : vector<1024x4096xi1>, vector<1024x4096xi32>
    %reduce_min3A_99 = arith.constant dense<2147483647> : vector<1024xi32>
    %reduce_min3A_100 = vector.multi_reduction <minsi>, %select_n3A_98, %reduce_min3A_99 [1] : vector<1024x4096xi32> to vector<1024xi32>
    %broadcast_in_dim3A_101 = vector.shape_cast %reduce_min3A_100 : vector<1024xi32> to vector<1024x1xi32>
    %swap3A_102 = arith.constant 0 : index
    %swap3A_103 = arith.constant 1 : index
    %swap3A_104 = vector.load %arg3[%swap3A_102, %swap3A_103] : memref<1024x3xi32, #tpu.memory_space<vmem>>, vector<1024x1xi32>
    tpu.vector_store %arg3[%swap3A_102, %swap3A_103], %broadcast_in_dim3A_101 {strides = array<i32>} : memref<1024x3xi32, #tpu.memory_space<vmem>>, vector<1024x1xi32>,
    %jit3A_105 = arith.constant 0x7F800000 : f32
    %broadcast_in_dim3A_106 = vector.broadcast %jit3A_105 : f32 to vector<1024x4096xf32>
    %select_n3A_107 = arith.select %eq3A_95, %broadcast_in_dim3A_106, %select_n3A_82 : vector<1024x4096xi1>, vector<1024x4096xf32>
    %add3A_108 = arith.addf %add3A_83, %div3A_93 : vector<1024x1xf32>
    %reduce_min3A_109 = arith.constant dense<0x7F800000> : vector<1024xf32>
    %reduce_min3A_110 = vector.multi_reduction <minimumf>, %select_n3A_107, %reduce_min3A_109 [1] : vector<1024x4096xf32> to vector<1024xf32>
    %broadcast_in_dim3A_111 = vector.shape_cast %reduce_min3A_110 : vector<1024xf32> to vector<1024x1xf32>
    %add3A_112 = arith.addf %broadcast_in_dim3A_111, %add3A_63 : vector<1024x1xf32>
    %max3A_113 = arith.constant 1.000000e-16 : f32
    %max3A_114 = vector.broadcast %max3A_113 : f32 to vector<1024x1xf32>
    %max3A_115 = arith.maximumf %add3A_112, %max3A_114 : vector<1024x1xf32>
    %div3A_116 = arith.constant 1.000000e+00 : f32
    %div3A_117 = vector.broadcast %div3A_116 : f32 to vector<1024x1xf32>
    %div3A_118 = arith.divf %div3A_117, %max3A_115 : vector<1024x1xf32>
    %eq3A_119 = vector.broadcast %broadcast_in_dim3A_111 : vector<1024x1xf32> to vector<1024x4096xf32>
    %eq3A_120 = arith.cmpf oeq, %select_n3A_107, %eq3A_119 : vector<1024x4096xf32>
    %jit3A_121 = arith.constant 4096 : i32
    %broadcast_in_dim3A_122 = vector.broadcast %jit3A_121 : i32 to vector<1024x4096xi32>
    %select_n3A_123 = arith.select %eq3A_120, %iota3A, %broadcast_in_dim3A_122 : vector<1024x4096xi1>, vector<1024x4096xi32>
    %reduce_min3A_124 = arith.constant dense<2147483647> : vector<1024xi32>
    %reduce_min3A_125 = vector.multi_reduction <minsi>, %select_n3A_123, %reduce_min3A_124 [1] : vector<1024x4096xi32> to vector<1024xi32>
    %broadcast_in_dim3A_126 = vector.shape_cast %reduce_min3A_125 : vector<1024xi32> to vector<1024x1xi32>
    %swap3A_127 = arith.constant 0 : index
    %swap3A_128 = arith.constant 2 : index
    %swap3A_129 = vector.load %arg3[%swap3A_127, %swap3A_128] : memref<1024x3xi32, #tpu.memory_space<vmem>>, vector<1024x1xi32>
    tpu.vector_store %arg3[%swap3A_127, %swap3A_128], %broadcast_in_dim3A_126 {strides = array<i32>} : memref<1024x3xi32, #tpu.memory_space<vmem>>, vector<1024x1xi32>,
    %add3A_130 = arith.addf %add3A_108, %div3A_118 : vector<1024x1xf32>
    %div3A_131 = arith.divf %div3A_72, %add3A_130 : vector<1024x1xf32>
    %swap3A_132 = arith.constant 0 : index
    %swap3A_133 = arith.constant 0 : index
    %swap3A_134 = vector.load %arg4[%swap3A_132, %swap3A_133] : memref<1024x3xf32, #tpu.memory_space<vmem>>, vector<1024x1xf32>
    tpu.vector_store %arg4[%swap3A_132, %swap3A_133], %div3A_131 {strides = array<i32>} : memref<1024x3xf32, #tpu.memory_space<vmem>>, vector<1024x1xf32>,
    %div3A_135 = arith.divf %div3A_93, %add3A_130 : vector<1024x1xf32>
    %swap3A_136 = arith.constant 0 : index
    %swap3A_137 = arith.constant 1 : index
    %swap3A_138 = vector.load %arg4[%swap3A_136, %swap3A_137] : memref<1024x3xf32, #tpu.memory_space<vmem>>, vector<1024x1xf32>
    tpu.vector_store %arg4[%swap3A_136, %swap3A_137], %div3A_135 {strides = array<i32>} : memref<1024x3xf32, #tpu.memory_space<vmem>>, vector<1024x1xf32>,
    %div3A_139 = arith.divf %div3A_118, %add3A_130 : vector<1024x1xf32>
    %swap3A_140 = arith.constant 0 : index
    %swap3A_141 = arith.constant 2 : index
    %swap3A_142 = vector.load %arg4[%swap3A_140, %swap3A_141] : memref<1024x3xf32, #tpu.memory_space<vmem>>, vector<1024x1xf32>
    tpu.vector_store %arg4[%swap3A_140, %swap3A_141], %div3A_139 {strides = array<i32>} : memref<1024x3xf32, #tpu.memory_space<vmem>>, vector<1024x1xf32>,
    return
  }
  func.func @transform_0(%arg0: i32) -> (i32, i32) {
    %c0_i32 = arith.constant 0 : i32
    %c0_i32_0 = arith.constant 0 : i32
    return %c0_i32, %arg0 : i32, i32
  }
  func.func @transform_1(%arg0: i32) -> (i32, i32) {
    %c0_i32 = arith.constant 0 : i32
    %c0_i32_0 = arith.constant 0 : i32
    %c0_i32_1 = arith.constant 0 : i32
    return %c0_i32, %c0_i32_0 : i32, i32
  }
  func.func @transform_2(%arg0: i32) -> (i32, i32) {
    %c0_i32 = arith.constant 0 : i32
    %c0_i32_0 = arith.constant 0 : i32
    return %arg0, %c0_i32 : i32, i32
  }
  func.func @transform_3(%arg0: i32) -> (i32, i32) {
    %c0_i32 = arith.constant 0 : i32
    %c0_i32_0 = arith.constant 0 : i32
    return %arg0, %c0_i32 : i32, i32
  }
}

module attributes {stable_mosaic.version = 14 : i64} {
  func.func @_combine_body(%arg0: i32, %arg1: memref<1024x3x512xf32, #tpu.memory_space<vmem>>, %arg2: memref<1024x3xf32, #tpu.memory_space<vmem>>, %arg3: memref<512x512xf32, #tpu.memory_space<vmem>>, %arg4: memref<1x512xf32, #tpu.memory_space<vmem>>, %arg5: memref<512x512xf32, #tpu.memory_space<vmem>>, %arg6: memref<1x512xf32, #tpu.memory_space<vmem>>, %arg7: memref<1024x512xf32, #tpu.memory_space<vmem>>) attributes {dimension_semantics = [#tpu.dimension_semantics<arbitrary>], iteration_bounds = array<i64: 16>, scalar_prefetch = 0 : i64, scratch_operands = 0 : i64, tpu.core_type = #tpu.core_type<tc>, window_params = [{transform_indices = @transform_0, window_bounds = array<i64: 1024, 3, 512>}, {transform_indices = @transform_1, window_bounds = array<i64: 1024, 3>}, {pipeline_mode = #tpu.pipeline_mode<synchronous>, transform_indices = @transform_2, window_bounds = array<i64: 512, 512>}, {pipeline_mode = #tpu.pipeline_mode<synchronous>, transform_indices = @transform_3, window_bounds = array<i64: 1, 512>}, {pipeline_mode = #tpu.pipeline_mode<synchronous>, transform_indices = @transform_4, window_bounds = array<i64: 512, 512>}, {pipeline_mode = #tpu.pipeline_mode<synchronous>, transform_indices = @transform_5, window_bounds = array<i64: 1, 512>}, {transform_indices = @transform_6, window_bounds = array<i64: 1024, 512>}]} {
    %get3A = arith.constant 0 : index
    %get3A_0 = arith.constant 0 : index
    %get3A_1 = arith.constant 0 : index
    %get3A_2 = vector.load %arg1[%get3A, %get3A_0, %get3A_1] : memref<1024x3x512xf32, #tpu.memory_space<vmem>>, vector<1024x1x512xf32>
    %get3A_3 = vector.shape_cast %get3A_2 : vector<1024x1x512xf32> to vector<1024x512xf32>
    %get3A_4 = arith.constant 0 : index
    %get3A_5 = arith.constant 0 : index
    %get3A_6 = vector.load %arg2[%get3A_4, %get3A_5] : memref<1024x3xf32, #tpu.memory_space<vmem>>, vector<1024x1xf32>
    %mul3A = vector.broadcast %get3A_6 : vector<1024x1xf32> to vector<1024x512xf32>
    %mul3A_7 = arith.mulf %get3A_3, %mul3A : vector<1024x512xf32>
    %get3A_8 = arith.constant 0 : index
    %get3A_9 = arith.constant 1 : index
    %get3A_10 = arith.constant 0 : index
    %get3A_11 = vector.load %arg1[%get3A_8, %get3A_9, %get3A_10] : memref<1024x3x512xf32, #tpu.memory_space<vmem>>, vector<1024x1x512xf32>
    %get3A_12 = vector.shape_cast %get3A_11 : vector<1024x1x512xf32> to vector<1024x512xf32>
    %get3A_13 = arith.constant 0 : index
    %get3A_14 = arith.constant 1 : index
    %get3A_15 = vector.load %arg2[%get3A_13, %get3A_14] : memref<1024x3xf32, #tpu.memory_space<vmem>>, vector<1024x1xf32>
    %mul3A_16 = vector.broadcast %get3A_15 : vector<1024x1xf32> to vector<1024x512xf32>
    %mul3A_17 = arith.mulf %get3A_12, %mul3A_16 : vector<1024x512xf32>
    %add3A = arith.addf %mul3A_7, %mul3A_17 : vector<1024x512xf32>
    %get3A_18 = arith.constant 0 : index
    %get3A_19 = arith.constant 2 : index
    %get3A_20 = arith.constant 0 : index
    %get3A_21 = vector.load %arg1[%get3A_18, %get3A_19, %get3A_20] : memref<1024x3x512xf32, #tpu.memory_space<vmem>>, vector<1024x1x512xf32>
    %get3A_22 = vector.shape_cast %get3A_21 : vector<1024x1x512xf32> to vector<1024x512xf32>
    %get3A_23 = arith.constant 0 : index
    %get3A_24 = arith.constant 2 : index
    %get3A_25 = vector.load %arg2[%get3A_23, %get3A_24] : memref<1024x3xf32, #tpu.memory_space<vmem>>, vector<1024x1xf32>
    %mul3A_26 = vector.broadcast %get3A_25 : vector<1024x1xf32> to vector<1024x512xf32>
    %mul3A_27 = arith.mulf %get3A_22, %mul3A_26 : vector<1024x512xf32>
    %add3A_28 = arith.addf %add3A, %mul3A_27 : vector<1024x512xf32>
    %get3A_29 = arith.constant 0 : index
    %get3A_30 = arith.constant 0 : index
    %get3A_31 = vector.load %arg3[%get3A_29, %get3A_30] : memref<512x512xf32, #tpu.memory_space<vmem>>, vector<512x512xf32>
    %dot_general3A = arith.constant dense<0.000000e+00> : vector<1024x512xf32>
    %dot_general3A_32 = tpu.matmul %add3A_28, %get3A_31, %dot_general3A {dimension_numbers = #tpu.dot_dimension_numbers<[1], [0], [0], [1], [0, 0, 1, 1], [], []>, transpose_lhs_hint = false} : vector<1024x512xf32>, vector<512x512xf32>, vector<1024x512xf32> -> vector<1024x512xf32>
    %get3A_33 = arith.constant 0 : index
    %get3A_34 = arith.constant 0 : index
    %get3A_35 = vector.load %arg4[%get3A_33, %get3A_34] : memref<1x512xf32, #tpu.memory_space<vmem>>, vector<1x512xf32>
    %add3A_36 = vector.broadcast %get3A_35 : vector<1x512xf32> to vector<1024x512xf32>
    %add3A_37 = arith.addf %dot_general3A_32, %add3A_36 : vector<1024x512xf32>
    %max3A = arith.constant 0.000000e+00 : f32
    %max3A_38 = vector.broadcast %max3A : f32 to vector<1024x512xf32>
    %max3A_39 = arith.maximumf %add3A_37, %max3A_38 : vector<1024x512xf32>
    %get3A_40 = arith.constant 0 : index
    %get3A_41 = arith.constant 0 : index
    %get3A_42 = vector.load %arg5[%get3A_40, %get3A_41] : memref<512x512xf32, #tpu.memory_space<vmem>>, vector<512x512xf32>
    %dot_general3A_43 = arith.constant dense<0.000000e+00> : vector<1024x512xf32>
    %dot_general3A_44 = tpu.matmul %max3A_39, %get3A_42, %dot_general3A_43 {dimension_numbers = #tpu.dot_dimension_numbers<[1], [0], [0], [1], [0, 0, 1, 1], [], []>, transpose_lhs_hint = false} : vector<1024x512xf32>, vector<512x512xf32>, vector<1024x512xf32> -> vector<1024x512xf32>
    %get3A_45 = arith.constant 0 : index
    %get3A_46 = arith.constant 0 : index
    %get3A_47 = vector.load %arg6[%get3A_45, %get3A_46] : memref<1x512xf32, #tpu.memory_space<vmem>>, vector<1x512xf32>
    %add3A_48 = vector.broadcast %get3A_47 : vector<1x512xf32> to vector<1024x512xf32>
    %add3A_49 = arith.addf %dot_general3A_44, %add3A_48 : vector<1024x512xf32>
    %swap3A = arith.constant 0 : index
    %swap3A_50 = arith.constant 0 : index
    %swap3A_51 = vector.load %arg7[%swap3A, %swap3A_50] : memref<1024x512xf32, #tpu.memory_space<vmem>>, vector<1024x512xf32>
    tpu.vector_store %arg7[%swap3A, %swap3A_50], %add3A_49 {strides = array<i32>} : memref<1024x512xf32, #tpu.memory_space<vmem>>, vector<1024x512xf32>,
    return
  }
  func.func @transform_0(%arg0: i32) -> (i32, i32, i32) {
    %c0_i32 = arith.constant 0 : i32
    %c0_i32_0 = arith.constant 0 : i32
    %c0_i32_1 = arith.constant 0 : i32
    return %arg0, %c0_i32, %c0_i32_0 : i32, i32, i32
  }
  func.func @transform_1(%arg0: i32) -> (i32, i32) {
    %c0_i32 = arith.constant 0 : i32
    %c0_i32_0 = arith.constant 0 : i32
    return %arg0, %c0_i32 : i32, i32
  }
  func.func @transform_2(%arg0: i32) -> (i32, i32) {
    %c0_i32 = arith.constant 0 : i32
    %c0_i32_0 = arith.constant 0 : i32
    %c0_i32_1 = arith.constant 0 : i32
    return %c0_i32, %c0_i32_0 : i32, i32
  }
  func.func @transform_3(%arg0: i32) -> (i32, i32) {
    %c0_i32 = arith.constant 0 : i32
    %c0_i32_0 = arith.constant 0 : i32
    %c0_i32_1 = arith.constant 0 : i32
    return %c0_i32, %c0_i32_0 : i32, i32
  }
  func.func @transform_4(%arg0: i32) -> (i32, i32) {
    %c0_i32 = arith.constant 0 : i32
    %c0_i32_0 = arith.constant 0 : i32
    %c0_i32_1 = arith.constant 0 : i32
    return %c0_i32, %c0_i32_0 : i32, i32
  }
  func.func @transform_5(%arg0: i32) -> (i32, i32) {
    %c0_i32 = arith.constant 0 : i32
    %c0_i32_0 = arith.constant 0 : i32
    %c0_i32_1 = arith.constant 0 : i32
    return %c0_i32, %c0_i32_0 : i32, i32
  }
  func.func @transform_6(%arg0: i32) -> (i32, i32) {
    %c0_i32 = arith.constant 0 : i32
    %c0_i32_0 = arith.constant 0 : i32
    return %arg0, %c0_i32 : i32, i32
  }
}

</mosaic_0001>

<sc_bundles>
// kernel: kernel.5.cloned.1.call-start
scs
__scs_entry_jumppad:
0x0: {  	(pc) =	sbr.rel $0x88, $3  }
0x1: {  	(tag) =	ssettag $0x0;
	lr =	simm.s32 $0x1  }
0x2: {  	[smem:$0x3F9A] =	sst lr;
	_ =	strace $0xD0000000  }
0x3: {  	_ = 	snop  }
0x4: {  	_ = 	snop  }
0x5: {  	_ = 	snop  }
0x6: {  	_ = 	snop  }
0x7: {  	_ = 	snop  }
__scs_overlays_trampoline_lowered:
0x8: {  	[smem:$0x3FA9] =	sst s0  }
0x9: {  	[smem:$0x3FAA] =	sst s1  }
0xa: {  	[smem:$0x3FAB] =	sst s2  }
0xb: {  	[smem:$0x3FAC] =	sst s3  }
0xc: {  	[smem:$0x3FAD] =	sst s4  }
0xd: {  	[smem:$0x3FAE] =	sst s5  }
0xe: {  	[smem:$0x3FAF] =	sst s6  }
0xf: {  	[smem:$0x3FB0] =	sst s7  }
0x10: {  	[smem:$0x3FB1] =	sst s8  }
0x11: {  	[smem:$0x3FB2] =	sst s9;
	s0 =	simm.s32 @!p0 $0x0  }
0x12: {  	s1 =	sld [smem:$0x3F98];
	s0 =	simm.s32 @p0 $0x1  }
0x13: {  	[smem:$0x3FB3] =	sst s0;
	s0 =	simm.s32 @!p1 $0x0  }
0x14: {  	s2 =	sld [smem:$0x3F97];
	s0 =	simm.s32 @p1 $0x1  }
0x15: {  	[smem:$0x3FB4] =	sst s0;
	s0 =	simm.s32 @!p2 $0x0  }
0x16: {  	s3 =	sld [smem:$0x3FDB];
	s0 =	simm.s32 @p2 $0x1  }
0x17: {  	s4 =	simm.s32 $0x1BF5;
	[smem:$0x3FB6] =	sst s0  }
0x18: {  	s0 =	sld [smem:$0x3F99];
	_ =	swait.ge [sflag:s4], $0x0  }
0x19: {  	s7 =	sld [smem:$0x3F9A]  }
0x1a: {  	s8 =	sadd.s32 $0xFFFFE003, lr  }
0x1b: {  	s9 =	sadd.s32 $0xFFFFFEF7, lr;
	s5 =	simm.s32 $0xFFFFFFFF;
	p2 =	slt.u32 s8, $0xFFFFF086  }
0x1c: {  	p1 =	slt.u32 s9, $0xF7A;
	s5 =	simm.s32 @!p2 $0x0  }
0x1d: {  	s5 =	simm.s32 @p1 $0x1;
	p0 =	seq.s32 s7, s2  }
0x1e: {  	s7 =	smul.u32 @!p0 $0xF7A, s2;
	p2 =	seq.s32 @!p0 s5, $0x0  }
0x1f: {  	s9 =	smul.u32 $0xF7A, s1;
	s8 =	simm.s32 @!p0 $0x1BF5;
	p2 =	por !p2, p0  }
0x20: {  	[sflag:s8] =	ssyncset.s32 @!p0 $0xFFFFF086;
	s6 =	sadd.s32 @!p0 s3, s7;
	s7 =	simm.s32 @!p0 $0x108  }
0x21: {  	s3 =	sadd.s32 s3, s9;
	s6 =	sadd.s32 @!p0 $0x88, s6;
	s7 =	simm.s32 @p2 $0x1082  }
0x22: {  	[simem:s7], [sflag:s8] =	dma.local @!p0 [hbm:s6], $0xF7A  }
0x23: {  	s9 =	sor.u32 $0xD0000000, s2;
	s6 =	simm.s32 $0x108;
	_ =	swait.ge @!p0 [sflag:s8], $0x0  }
0x24: {  	s3 =	sadd.s32 $0x88, s3;
	s6 =	simm.s32 @!p1 $0x1082;
	[sflag:s4] =	ssyncset.s32 $0xFFFFF086  }
0x25: {  	[simem:s6], [sflag:s4] =	dma.local [hbm:s3], $0xF7A  }
0x26: {  	[smem:$0x3F9A] =	sst s1;
	(tag) =	ssettag s2;
	_ =	strace s9  }
0x27: {  	s1 =	sld [smem:$0x3FAA]  }
0x28: {  	s2 =	sld [smem:$0x3FAB]  }
0x29: {  	s4 =	sld [smem:$0x3FAD]  }
0x2a: {  	p0 =	seq.s32 s5, $0x0;
	s5 =	sld [smem:$0x3FAE]  }
0x2b: {  	s6 =	sld [smem:$0x3FAF]  }
0x2c: {  	s7 =	sld [smem:$0x3FB0]  }
0x2d: {  	s3 =	simm.s32 $0x108;
	s8 =	sld [smem:$0x3FB1]  }
0x2e: {  	s3 =	simm.s32 @!p0 $0x1082;
	s9 =	sld [smem:$0x3FB2]  }
0x2f: {  	lr =	sadd.s32 s0, s3;
	s0 =	sld [smem:$0x3FA9]  }
0x30: {  	s3 =	sld [smem:$0x3FAC]  }
0x31: {  	[smem:$0x3FB5] =	sst s10  }
0x32: {  	s10 =	sld [smem:$0x3FB3];
	_ =	sdelay $0x3  }
0x33: {  	p0 =	seq.s32 s10, $0x1;
	s10 =	sld [smem:$0x3FB5];
	_ =	sdelay $0x3  }
0x34: {  	[smem:$0x3FB5] =	sst s10  }
0x35: {  	s10 =	sld [smem:$0x3FB4];
	_ =	sdelay $0x3  }
0x36: {  	p1 =	seq.s32 s10, $0x1;
	s10 =	sld [smem:$0x3FB5];
	_ =	sdelay $0x3  }
0x37: {  	[smem:$0x3FB5] =	sst s10  }
0x38: {  	s10 =	sld [smem:$0x3FB6]  }
0x39: {  	_ = 	snop;
	(pc) =	sbr.ind lr, $3  }
0x3a: {  	_ = 	snop  }
0x3b: {  	_ = 	snop  }
0x3c: {  	p2 =	seq.s32 s10, $0x1;
	s10 =	sld [smem:$0x3FB5]  }
0x3d: {  	_ =	shalt  }
0x3e: {  	_ =	shalt  }
0x3f: {  	_ =	shalt  }
0x40: {  	_ =	shalt  }
0x41: {  	_ =	shalt  }
0x42: {  	_ =	shalt  }
0x43: {  	_ =	shalt  }
0x44: {  	_ =	shalt  }
0x45: {  	_ =	shalt  }
0x46: {  	_ =	shalt  }
0x47: {  	_ =	shalt  }
0x48: {  	_ =	shalt  }
0x49: {  	_ =	shalt  }
0x4a: {  	_ =	shalt  }
0x4b: {  	_ =	shalt  }
0x4c: {  	_ =	shalt  }
0x4d: {  	_ =	shalt  }
0x4e: {  	_ =	shalt  }
0x4f: {  	_ =	shalt  }
0x50: {  	_ =	shalt  }
0x51: {  	_ =	shalt  }
0x52: {  	_ =	shalt  }
0x53: {  	_ =	shalt  }
0x54: {  	_ =	shalt  }
0x55: {  	_ =	shalt  }
0x56: {  	_ =	shalt  }
0x57: {  	_ =	shalt  }
0x58: {  	_ =	shalt  }
0x59: {  	_ =	shalt  }
0x5a: {  	_ =	shalt  }
0x5b: {  	_ =	shalt  }
0x5c: {  	_ =	shalt  }
0x5d: {  	_ =	shalt  }
0x5e: {  	_ =	shalt  }
0x5f: {  	_ =	shalt  }
0x60: {  	_ =	shalt  }
0x61: {  	_ =	shalt  }
0x62: {  	_ =	shalt  }
0x63: {  	_ =	shalt  }
0x64: {  	_ =	shalt  }
0x65: {  	_ =	shalt  }
0x66: {  	_ =	shalt  }
0x67: {  	_ =	shalt  }
0x68: {  	_ =	shalt  }
0x69: {  	_ =	shalt  }
0x6a: {  	_ =	shalt  }
0x6b: {  	_ =	shalt  }
0x6c: {  	_ =	shalt  }
0x6d: {  	_ =	shalt  }
0x6e: {  	_ =	shalt  }
0x6f: {  	_ =	shalt  }
0x70: {  	_ =	shalt  }
0x71: {  	_ =	shalt  }
0x72: {  	_ =	shalt  }
0x73: {  	_ =	shalt  }
0x74: {  	_ =	shalt  }
0x75: {  	_ =	shalt  }
0x76: {  	_ =	shalt  }
0x77: {  	_ =	shalt  }
0x78: {  	_ =	shalt  }
0x79: {  	_ =	shalt  }
0x7a: {  	_ =	shalt  }
0x7b: {  	_ =	shalt  }
0x7c: {  	_ =	shalt  }
0x7d: {  	_ =	shalt  }
0x7e: {  	_ =	shalt  }
0x7f: {  	_ =	shalt  }
0x80: {  	_ =	shalt  }
0x81: {  	_ =	shalt  }
0x82: {  	_ =	shalt  }
0x83: {  	_ =	shalt  }
0x84: {  	_ =	shalt  }
0x85: {  	_ =	shalt  }
0x86: {  	_ =	shalt  }
0x87: {  	_ =	shalt  }
.Lfunc_end0:
.L_simem_size_0:
called_computation_lowered:
.L_overlay_start_0:
0x88: {  	s2 =	sld [smem:$0x3FD9]  }
0x89: {  	s3 =	sld [smem:$0x3FFE];
	_ =	sdelay $0x1  }
0x8a: {  	s1 =	srdreg.scid  }
0x8b: {  	s0 =	sand.u32 $0x1, s1  }
0x8c: {  	s14 =	sshll.u32 s0, $0xA;
	s2 =	sadd.s32 s3, s2  }
0x8d: {  	s2 =	sadd.s32 s2, s14  }
0x8e: {  	[smem:$0x3FC1] =	sst s2  }
0x8f: {  	_ = 	snop  }
0x90: {  	s2 =	sld [smem:$0x3FD0];
	_ =	sdelay $0x2  }
0x91: {  	s4 =	simm.s32 $0xA;
	s5 =	simm.s32 $0x10;
	s15 =	sld [smem:$0x3FC9]  }
0x92: {  	[smem:s5], [sflag:s4] =	dma.local [hbm:s2], $0x1  }
0x93: {  	_ =	swait.eq [sflag:s4], $0x1  }
0x94: {  	[sflag:s4] =	ssyncset.done $0x0  }
0x95: {  	[sflag:s4] =	ssyncadd.s32 $0xFFFFFFFF  }
0x96: {  	s16 =	sld [smem:$0x11];
	(tm) =	ssettm $0x1  }
0x97: {  	s17 =	sld [smem:$0x3FFB];
	_ =	sdelay $0x3  }
0x98: {  	_ =	strace s17  }
0x99: {  	s4 =	sld [smem:$0x3FFC];
	_ =	sdelay $0x3  }
0x9a: {  	_ =	strace s4  }
0x9b: {  	s4 =	sld [smem:$0x3FFD];
	_ =	sdelay $0x3  }
0x9c: {  	_ =	strace s4  }
0x9d: {  	_ =	strace $0x8FFFFFFF  }
0x9e: {  	s18 =	sld [smem:$0x3FDB];
	_ =	sdelay $0x1  }
0x9f: {  	s19 =	simm.s32 $_scs_section_size  }
0xa0: {  	s6 =	simm.s32 $_size__tile_overlayer_lowered;
	s7 =	simm.s32 $_tile_overlayer_lowered  }
0xa1: {  	s22 =	simm.s32 $0x1BFF;
	s21 =	sshll.u32 s7, $0x1;
	s4 =	sadd.s32 s19, s18  }
0xa2: {  	s8 =	simm.s32 $0x0;
	s20 =	sshll.u32 s6, $0x1;
	s6 =	sadd.s32 s21, s4  }
0xa3: {  	[timem:s8], [sflag:s22] =	dma.local [hbm:s6], s20  }
0xa4: {  	_ =	swait.ge [sflag:s22], s20  }
0xa5: {  	s5 =	ssub.s32 $0x0, s20;
	[sflag:s22] =	ssyncset.done $0x0  }
0xa6: {  	[sflag:s22] =	ssyncadd.s32 s5;
	_ =	sdelay $0x1  }
0xa7: {  	s23 =	simm.s32 $0x1B8B  }
0xa8: {  	_ =	swait.ge [sflag:s23], $0x1  }
0xa9: {  	[sflag:s23] =	ssyncset.done $0x0  }
0xaa: {  	s25 =	simm.s32 $0x1B8E;
	s24 =	sld [smem:$0x3FFE];
	[sflag:s23] =	ssyncadd.s32 $0xFFFFFFFF  }
0xab: {  	s26 =	simm.s32 $execute0_lowered;
	[smem:$0x3FD2] =	sst s25  }
0xac: {  	s6 =	sshll.u32 s26, $0x1;
	_ =	strace $0x80000046;
	[dreg:$0x1] =	wrdreg $0xFFFFFFFF  }
0xad: {  	s28 =	simm.s32 $_size_execute0_lowered;
	s4 =	sadd.s32 s4, s6;
	[dreg:$0x0] =	wrdreg $0x0  }
0xae: {  	s6 =	sshll.u32 s28, $0x1;
	[dreg:$0x2] =	wrdreg s4  }
0xaf: {  	[dreg:$0x3] =	wrdreg s6  }
0xb0: {  	[dreg:$0x4] =	wrdreg $0xC0  }
0xb1: {  	_ =	task [dreg:s8], $0x5FFFF  }
0xb2: {  	[dreg:$0x1] =	wrdreg $0xFFFFFFFF  }
0xb3: {  	[dreg:$0x0] =	wrdreg $0x60  }
0xb4: {  	[dreg:$0x2] =	wrdreg s15  }
0xb5: {  	[dreg:$0x3] =	wrdreg s16  }
0xb6: {  	[dreg:$0x4] =	wrdreg s24  }
0xb7: {  	[dreg:$0x5] =	wrdreg $0x9  }
0xb8: {  	_ =	task.clear_ibuf [dreg:s8], $0x6FFFF;
	_ =	strace $0x90000046  }
0xb9: {  	s29 =	simm.s32 $0x9;
	_ =	strace $0x80000048  }
0xba: {  	_ =	swait.ge [sflag:s29], $0x1  }
0xbb: {  	[sflag:s29] =	ssyncadd.s32 $0xFFFFFFFF  }
0xbc: {  	_ =	strace $0x90000048  }
0xbd: {  	_ =	sfence  }
0xbe: {  	s30 =	sld [smem:$0x0];
	_ =	sdelay $0x2  }
0xbf: {  	s31 =	sshll.u32 s1, $0xD;
	s1 =	sshrl.u32 s1, $0x2  }
0xc0: {  	s3 =	sand.u32 $0x4000, s31;
	s1 =	sadd.s32 s1, s30  }
0xc1: {  	s0 =	sor.u32 s3, s0;
	s1 =	sshll.u32 s1, $0x11  }
0xc2: {  	s0 =	sor.u32 s1, s0  }
0xc3: {  	s0 =	sadd.s32 $0x8F2B, s0  }
0xc4: {  	[sflag:s0] =	ssyncadd.remote.s32 $0x1  }
0xc5: {  	_ =	sfence.sel $0xFFFF  }
0xc6: {  	[dreg:$0x0] =	wrdreg $0xFFFFFFFF;
	(pc) =	sbr.abs _section_cstart, $3  }
0xc7: {  	[dreg:$0x1] =	wrdreg $0xFFFFFFFF  }
0xc8: {  	_ =	task.clear_ibuf [dreg:s8], $0x2FFFF;
	_ =	strace $0x9FFFFFFF  }
0xc9: {  	(tm) =	ssettm $0x7FFFFFFF  }
tec
execute0_lowered:
.L_overlay_start_1:
0x0: {  	(tag) =	ssettag $0x1  }
0x1: {  	s2 =	rddreg [dreg:$0x0]  }
0x2: {  	s4 =	rddreg [dreg:$0x1]  }
0x3: {  	s6 =	rddreg [dreg:$0x2];
	s3 =	simm.s32 $0x0  }
0x4: {  	s18 =	simm.s32 $0x900;
	[smem:$0x7FF] =	sst s3  }
0x5: {  	s19 =	simm.s32 $0x1100;
	_ =	strace $0x80000047;
	[dreg:$0x5] =	wrdreg s18  }
0x6: {  	s20 =	simm.s32 $0x1900;
	[dreg:$0x6] =	wrdreg s19  }
0x7: {  	s21 =	simm.s32 $0x2100;
	[dreg:$0x7] =	wrdreg s20  }
0x8: {  	s22 =	simm.s32 $0x2900;
	[dreg:$0x8] =	wrdreg s21  }
0x9: {  	s7 =	stileid.u32;
	s23 =	simm.s32 $0x3100;
	[dreg:$0x9] =	wrdreg s22  }
0xa: {  	s0 =	srdreg.scid;
	s24 =	simm.s32 $0x3900;
	[dreg:$0xa] =	wrdreg s23  }
0xb: {  	s25 =	simm.s32 $0x4100;
	s26 =	simm.s32 $0x4900;
	[dreg:$0xb] =	wrdreg s24  }
0xc: {  	s8 =	simm.s32 $0x6100;
	s9 =	simm.s32 $0x6900;
	[dreg:$0xc] =	wrdreg s25  }
0xd: {  	s10 =	simm.s32 $0x7100;
	s11 =	simm.s32 $0x7900;
	[dreg:$0xd] =	wrdreg s26  }
0xe: {  	s13 =	simm.s32 $0x8100;
	s14 =	simm.s32 $0x8900;
	[dreg:$0x10] =	wrdreg s8  }
0xf: {  	s15 =	simm.s32 $0x9100;
	s17 =	simm.s32 $0x9900;
	[dreg:$0x11] =	wrdreg s9  }
0x10: {  	s28 =	simm.s32 $0x17100;
	s29 =	simm.s32 $0x17900;
	[dreg:$0x12] =	wrdreg s10  }
0x11: {  	s30 =	simm.s32 $0x1;
	s31 =	simm.s32 $0x0;
	[dreg:$0x13] =	wrdreg s11  }
0x12: {  	s0 =	sand.u32 $0x1, s0;
	s1 =	smul.u32 $0xC00, s7;
	[dreg:$0x14] =	wrdreg s13  }
0x13: {  	s12 =	smul.u32 $0x30000, s7;
	s7 =	simm.s32 $0x2;
	[dreg:$0x15] =	wrdreg s14  }
0x14: {  	s5 =	smul.u32 $0x600, s0;
	s16 =	ssub.s32 $0x2, s0;
	[dreg:$0x16] =	wrdreg s15  }
0x15: {  	[dreg:$0x17] =	wrdreg s17;
	s19 =	simm.s32 $0xA100;
	s20 =	simm.s32 $0xA900  }
0x16: {  	s21 =	simm.s32 $0xB100;
	s0 =	smul.u32 $0x18000, s0;
	s22 =	simm.s32 $0xB900  }
0x17: {  	s23 =	simm.s32 $0xC100;
	s24 =	simm.s32 $0xC900;
	[dreg:$0x18] =	wrdreg s19  }
0x18: {  	s25 =	simm.s32 $0xD100;
	s26 =	simm.s32 $0xD900;
	[dreg:$0x19] =	wrdreg s20  }
0x19: {  	s8 =	simm.s32 $0x100;
	s9 =	simm.s32 $0xE100;
	[dreg:$0x1a] =	wrdreg s21  }
0x1a: {  	s10 =	simm.s32 $0xE900;
	s11 =	simm.s32 $0xF100;
	[dreg:$0x1b] =	wrdreg s22  }
0x1b: {  	s13 =	simm.s32 $0x10100;
	s14 =	simm.s32 $0x10900;
	[dreg:$0x1c] =	wrdreg s23  }
0x1c: {  	s15 =	simm.s32 $0x11100;
	s17 =	simm.s32 $0x12100;
	[dreg:$0x1d] =	wrdreg s24  }
0x1d: {  	s6 =	sadd.s32 s12, s6;
	s18 =	sshrl.u32 s16, $0x1;
	[dreg:$0x1e] =	wrdreg s25  }
0x1e: {  	[dreg:$0x1f] =	wrdreg s26;
	s12 =	simm.s32 $0xF900;
	s19 =	simm.s32 $0x13100  }
0x1f: {  	s20 =	simm.s32 $0x13900;
	s21 =	simm.s32 $0x14100;
	s22 =	simm.s32 $0x14900  }
0x20: {  	s23 =	simm.s32 $0x15100;
	s24 =	simm.s32 $0x15900;
	s25 =	simm.s32 $0x16100  }
0x21: {  	s1 =	sadd.s32 s5, s1;
	s5 =	simm.s32 $0x5900;
	s0 =	sadd.s32 s0, s6  }
0x22: {  	s1 =	sshrl.u32 s1, $0x3;
	[dreg:$0xf] =	wrdreg s5;
	s0 =	sadd.s32 $0x1800, s0  }
0x23: {  	s26 =	simm.s32 $0x16900;
	s1 =	sadd.s32 s1, s4;
	[smem:$0x7FD] =	sst s0  }
0x24: {  	v2 =	vlaneseq.u32;
	s5 =	ssub.s32 s16, s18;
	s4 =	simm.s32 $0x5100;
	[dreg:$0x4] =	wrdreg s1  }
0x25: {  	vm0 =	vmmov $0xffff;
	v1 =	vshrl.u32 v2, $0x3;
	s16 =	simm.s32 $0x11900;
	s5 =	smax.u32 s5, $0x1;
	[dreg:$0xe] =	wrdreg s4  }
0x26: {  	v0 =	vand.u32 $0x7, v2;
	v2 =	vor.u32 $0x8, v2;
	v1 =	vmul.u32 $0x8, v1;
	s18 =	simm.s32 $0x12900;
	s4 =	sadd.s32 $0x100, s2;
	[smem:$0x7FC] =	sst s5  }
.LBB2_1:
0x27: {  	s6 =	sld [smem:$0x7FD];
	s0 =	simm.s32 $0x0  }
.LBB2_2:
0x28: {  	s5 =	rddreg [dreg:$0x4]  }
0x29: {  	s5 =	sadd.s32 s0, s5  }
0x2a: {  	[tilespmem:s3], [sflag:$0x2] =	stream.linear.gather [hbm4b:s5+s3], $0xC0, $0x38;
	[tilespmem:$0x18100] =	vst v63  }
0x2b: {  	_ =	swait.ge [sflag:s7], $0xC0  }
0x2c: {  	[sflag:s7] =	ssyncset.done $0x0  }
0x2d: {  	[sflag:s7] =	ssyncadd.s32 $0xFFFFFF40  }
0x2e: {  	v3 =	vld [tilespmem:$0x0];
	_ =	sdelay $0x4  }
0x2f: {  	v4 =	vshll.u32 v3, $0x2  }
0x30: {  	v3 =	vand.u32 $0x7, v3;
	v4 =	vand.u32 $0xFFFFFFE0, v4  }
0x31: {  	v3 =	vor.u32 v3, v4  }
0x32: {  	v4 =	vperm.xlane v3, v0;
	_ =	sdelay $0x1  }
0x33: {  	v4 =	vadd.s32 v1, v4;
	_ =	sdelay $0x1  }
0x34: {  	v3 =	vperm.xlane v3, v2;
	_ =	sdelay $0x1  }
0x35: {  	v3 =	vadd.s32 v1, v3  }
0x36: {  	[tilespmem:s8], [sflag:$0x1] =	stream.indirect_vreg.gather [hbm4b:s2+s3], $0x80, v4, vm0, $0xb8;
	[tilespmem:$0x18100] =	vst v63  }
0x37: {  	s5 =	rddreg [dreg:$0x5]  }
0x38: {  	[tilespmem:s5], [sflag:$0x1] =	stream.indirect_vreg.gather [hbm4b:s4+s3], $0x80, v4, vm0, $0xb8;
	[tilespmem:$0x18100] =	vst v63  }
0x39: {  	s1 =	rddreg [dreg:$0x6]  }
0x3a: {  	[tilespmem:s1], [sflag:$0x1] =	stream.indirect_vreg.gather [hbm4b:s2+s3], $0x80, v3, vm0, $0xb8;
	[tilespmem:$0x18100] =	vst v63  }
0x3b: {  	s5 =	rddreg [dreg:$0x7]  }
0x3c: {  	[tilespmem:s5], [sflag:$0x1] =	stream.indirect_vreg.gather [hbm4b:s4+s3], $0x80, v3, vm0, $0xb8;
	[tilespmem:$0x18100] =	vst v63  }
0x3d: {  	v3 =	vld [tilespmem:$0x10];
	_ =	sdelay $0x4  }
0x3e: {  	v53 =	vshll.u32 v3, $0x2  }
0x3f: {  	v3 =	vand.u32 $0x7, v3;
	v4 =	vand.u32 $0xFFFFFFE0, v53  }
0x40: {  	v3 =	vor.u32 v3, v4  }
0x41: {  	v4 =	vperm.xlane v3, v0;
	_ =	sdelay $0x1  }
0x42: {  	v4 =	vadd.s32 v1, v4;
	_ =	sdelay $0x1  }
0x43: {  	v3 =	vperm.xlane v3, v2;
	_ =	sdelay $0x1  }
0x44: {  	s1 =	rddreg [dreg:$0x8];
	v3 =	vadd.s32 v1, v3  }
0x45: {  	[tilespmem:s1], [sflag:$0x1] =	stream.indirect_vreg.gather [hbm4b:s2+s3], $0x80, v4, vm0, $0xb8;
	[tilespmem:$0x18100] =	vst v63  }
0x46: {  	s5 =	rddreg [dreg:$0x9]  }
0x47: {  	[tilespmem:s5], [sflag:$0x1] =	stream.indirect_vreg.gather [hbm4b:s4+s3], $0x80, v4, vm0, $0xb8;
	[tilespmem:$0x18100] =	vst v63  }
0x48: {  	s1 =	rddreg [dreg:$0xa]  }
0x49: {  	[tilespmem:s1], [sflag:$0x1] =	stream.indirect_vreg.gather [hbm4b:s2+s3], $0x80, v3, vm0, $0xb8;
	[tilespmem:$0x18100] =	vst v63  }
0x4a: {  	s5 =	rddreg [dreg:$0xb]  }
0x4b: {  	[tilespmem:s5], [sflag:$0x1] =	stream.indirect_vreg.gather [hbm4b:s4+s3], $0x80, v3, vm0, $0xb8;
	[tilespmem:$0x18100] =	vst v63  }
0x4c: {  	v3 =	vld [tilespmem:$0x20];
	_ =	sdelay $0x4  }
0x4d: {  	v54 =	vshll.u32 v3, $0x2  }
0x4e: {  	v3 =	vand.u32 $0x7, v3;
	v4 =	vand.u32 $0xFFFFFFE0, v54  }
0x4f: {  	v3 =	vor.u32 v3, v4  }
0x50: {  	v4 =	vperm.xlane v3, v0;
	_ =	sdelay $0x1  }
0x51: {  	v4 =	vadd.s32 v1, v4;
	_ =	sdelay $0x1  }
0x52: {  	v3 =	vperm.xlane v3, v2;
	_ =	sdelay $0x1  }
0x53: {  	s1 =	rddreg [dreg:$0xc];
	v3 =	vadd.s32 v1, v3  }
0x54: {  	[tilespmem:s1], [sflag:$0x1] =	stream.indirect_vreg.gather [hbm4b:s2+s3], $0x80, v4, vm0, $0xb8;
	[tilespmem:$0x18100] =	vst v63  }
0x55: {  	s5 =	rddreg [dreg:$0xd]  }
0x56: {  	[tilespmem:s5], [sflag:$0x1] =	stream.indirect_vreg.gather [hbm4b:s4+s3], $0x80, v4, vm0, $0xb8;
	[tilespmem:$0x18100] =	vst v63  }
0x57: {  	s1 =	rddreg [dreg:$0xe]  }
0x58: {  	[tilespmem:s1], [sflag:$0x1] =	stream.indirect_vreg.gather [hbm4b:s2+s3], $0x80, v3, vm0, $0xb8;
	[tilespmem:$0x18100] =	vst v63  }
0x59: {  	s5 =	rddreg [dreg:$0xf]  }
0x5a: {  	[tilespmem:s5], [sflag:$0x1] =	stream.indirect_vreg.gather [hbm4b:s4+s3], $0x80, v3, vm0, $0xb8;
	[tilespmem:$0x18100] =	vst v63  }
0x5b: {  	v3 =	vld [tilespmem:$0x30];
	_ =	sdelay $0x4  }
0x5c: {  	v55 =	vshll.u32 v3, $0x2  }
0x5d: {  	v3 =	vand.u32 $0x7, v3;
	v4 =	vand.u32 $0xFFFFFFE0, v55  }
0x5e: {  	v3 =	vor.u32 v3, v4  }
0x5f: {  	v4 =	vperm.xlane v3, v0;
	_ =	sdelay $0x1  }
0x60: {  	v4 =	vadd.s32 v1, v4;
	_ =	sdelay $0x1  }
0x61: {  	v3 =	vperm.xlane v3, v2;
	_ =	sdelay $0x1  }
0x62: {  	s1 =	rddreg [dreg:$0x10];
	v3 =	vadd.s32 v1, v3  }
0x63: {  	[tilespmem:s1], [sflag:$0x1] =	stream.indirect_vreg.gather [hbm4b:s2+s3], $0x80, v4, vm0, $0xb8;
	[tilespmem:$0x18100] =	vst v63  }
0x64: {  	s5 =	rddreg [dreg:$0x11]  }
0x65: {  	[tilespmem:s5], [sflag:$0x1] =	stream.indirect_vreg.gather [hbm4b:s4+s3], $0x80, v4, vm0, $0xb8;
	[tilespmem:$0x18100] =	vst v63  }
0x66: {  	s1 =	rddreg [dreg:$0x12]  }
0x67: {  	[tilespmem:s1], [sflag:$0x1] =	stream.indirect_vreg.gather [hbm4b:s2+s3], $0x80, v3, vm0, $0xb8;
	[tilespmem:$0x18100] =	vst v63  }
0x68: {  	s5 =	rddreg [dreg:$0x13]  }
0x69: {  	[tilespmem:s5], [sflag:$0x1] =	stream.indirect_vreg.gather [hbm4b:s4+s3], $0x80, v3, vm0, $0xb8;
	[tilespmem:$0x18100] =	vst v63  }
0x6a: {  	v3 =	vld [tilespmem:$0x40];
	_ =	sdelay $0x4  }
0x6b: {  	v56 =	vshll.u32 v3, $0x2  }
0x6c: {  	v3 =	vand.u32 $0x7, v3;
	v4 =	vand.u32 $0xFFFFFFE0, v56  }
0x6d: {  	v3 =	vor.u32 v3, v4  }
0x6e: {  	v4 =	vperm.xlane v3, v0;
	_ =	sdelay $0x1  }
0x6f: {  	v4 =	vadd.s32 v1, v4;
	_ =	sdelay $0x1  }
0x70: {  	v3 =	vperm.xlane v3, v2;
	_ =	sdelay $0x1  }
0x71: {  	s1 =	rddreg [dreg:$0x14];
	v3 =	vadd.s32 v1, v3  }
0x72: {  	[tilespmem:s1], [sflag:$0x1] =	stream.indirect_vreg.gather [hbm4b:s2+s3], $0x80, v4, vm0, $0xb8;
	[tilespmem:$0x18100] =	vst v63  }
0x73: {  	s5 =	rddreg [dreg:$0x15]  }
0x74: {  	[tilespmem:s5], [sflag:$0x1] =	stream.indirect_vreg.gather [hbm4b:s4+s3], $0x80, v4, vm0, $0xb8;
	[tilespmem:$0x18100] =	vst v63  }
0x75: {  	s1 =	rddreg [dreg:$0x16]  }
0x76: {  	[tilespmem:s1], [sflag:$0x1] =	stream.indirect_vreg.gather [hbm4b:s2+s3], $0x80, v3, vm0, $0xb8;
	[tilespmem:$0x18100] =	vst v63  }
0x77: {  	s5 =	rddreg [dreg:$0x17]  }
0x78: {  	[tilespmem:s5], [sflag:$0x1] =	stream.indirect_vreg.gather [hbm4b:s4+s3], $0x80, v3, vm0, $0xb8;
	[tilespmem:$0x18100] =	vst v63  }
0x79: {  	v3 =	vld [tilespmem:$0x50];
	_ =	sdelay $0x4  }
0x7a: {  	v57 =	vshll.u32 v3, $0x2  }
0x7b: {  	v3 =	vand.u32 $0x7, v3;
	v4 =	vand.u32 $0xFFFFFFE0, v57  }
0x7c: {  	v3 =	vor.u32 v3, v4  }
0x7d: {  	v4 =	vperm.xlane v3, v0;
	_ =	sdelay $0x1  }
0x7e: {  	v4 =	vadd.s32 v1, v4;
	_ =	sdelay $0x1  }
0x7f: {  	v3 =	vperm.xlane v3, v2;
	_ =	sdelay $0x1  }
0x80: {  	s1 =	rddreg [dreg:$0x18];
	v3 =	vadd.s32 v1, v3  }
0x81: {  	[tilespmem:s1], [sflag:$0x1] =	stream.indirect_vreg.gather [hbm4b:s2+s3], $0x80, v4, vm0, $0xb8;
	[tilespmem:$0x18100] =	vst v63  }
0x82: {  	s5 =	rddreg [dreg:$0x19]  }
0x83: {  	[tilespmem:s5], [sflag:$0x1] =	stream.indirect_vreg.gather [hbm4b:s4+s3], $0x80, v4, vm0, $0xb8;
	[tilespmem:$0x18100] =	vst v63  }
0x84: {  	s1 =	rddreg [dreg:$0x1a]  }
0x85: {  	[tilespmem:s1], [sflag:$0x1] =	stream.indirect_vreg.gather [hbm4b:s2+s3], $0x80, v3, vm0, $0xb8;
	[tilespmem:$0x18100] =	vst v63  }
0x86: {  	s5 =	rddreg [dreg:$0x1b]  }
0x87: {  	[tilespmem:s5], [sflag:$0x1] =	stream.indirect_vreg.gather [hbm4b:s4+s3], $0x80, v3, vm0, $0xb8;
	[tilespmem:$0x18100] =	vst v63  }
0x88: {  	v3 =	vld [tilespmem:$0x60];
	_ =	sdelay $0x4  }
0x89: {  	v58 =	vshll.u32 v3, $0x2  }
0x8a: {  	v3 =	vand.u32 $0x7, v3;
	v4 =	vand.u32 $0xFFFFFFE0, v58  }
0x8b: {  	v3 =	vor.u32 v3, v4  }
0x8c: {  	v4 =	vperm.xlane v3, v0;
	_ =	sdelay $0x1  }
0x8d: {  	v4 =	vadd.s32 v1, v4;
	_ =	sdelay $0x1  }
0x8e: {  	v3 =	vperm.xlane v3, v2;
	_ =	sdelay $0x1  }
0x8f: {  	s1 =	rddreg [dreg:$0x1c];
	v3 =	vadd.s32 v1, v3  }
0x90: {  	[tilespmem:s1], [sflag:$0x1] =	stream.indirect_vreg.gather [hbm4b:s2+s3], $0x80, v4, vm0, $0xb8;
	[tilespmem:$0x18100] =	vst v63  }
0x91: {  	s5 =	rddreg [dreg:$0x1d]  }
0x92: {  	[tilespmem:s5], [sflag:$0x1] =	stream.indirect_vreg.gather [hbm4b:s4+s3], $0x80, v4, vm0, $0xb8;
	[tilespmem:$0x18100] =	vst v63  }
0x93: {  	s1 =	rddreg [dreg:$0x1e]  }
0x94: {  	[tilespmem:s1], [sflag:$0x1] =	stream.indirect_vreg.gather [hbm4b:s2+s3], $0x80, v3, vm0, $0xb8;
	[tilespmem:$0x18100] =	vst v63  }
0x95: {  	s5 =	rddreg [dreg:$0x1f]  }
0x96: {  	[tilespmem:s5], [sflag:$0x1] =	stream.indirect_vreg.gather [hbm4b:s4+s3], $0x80, v3, vm0, $0xb8;
	[tilespmem:$0x18100] =	vst v63  }
0x97: {  	v3 =	vld [tilespmem:$0x70];
	_ =	sdelay $0x4  }
0x98: {  	v59 =	vshll.u32 v3, $0x2  }
0x99: {  	v3 =	vand.u32 $0x7, v3;
	v4 =	vand.u32 $0xFFFFFFE0, v59  }
0x9a: {  	v3 =	vor.u32 v3, v4  }
0x9b: {  	v4 =	vperm.xlane v3, v0;
	_ =	sdelay $0x1  }
0x9c: {  	v4 =	vadd.s32 v1, v4;
	_ =	sdelay $0x1  }
0x9d: {  	v3 =	vperm.xlane v3, v2;
	_ =	sdelay $0x1  }
0x9e: {  	v3 =	vadd.s32 v1, v3  }
0x9f: {  	[tilespmem:s9], [sflag:$0x1] =	stream.indirect_vreg.gather [hbm4b:s2+s3], $0x80, v4, vm0, $0xb8;
	[tilespmem:$0x18100] =	vst v63  }
0xa0: {  	_ = 	snop  }
0xa1: {  	[tilespmem:s10], [sflag:$0x1] =	stream.indirect_vreg.gather [hbm4b:s4+s3], $0x80, v4, vm0, $0xb8;
	[tilespmem:$0x18100] =	vst v63  }
0xa2: {  	_ = 	snop  }
0xa3: {  	[tilespmem:s11], [sflag:$0x1] =	stream.indirect_vreg.gather [hbm4b:s2+s3], $0x80, v3, vm0, $0xb8;
	[tilespmem:$0x18100] =	vst v63  }
0xa4: {  	_ = 	snop  }
0xa5: {  	[tilespmem:s12], [sflag:$0x1] =	stream.indirect_vreg.gather [hbm4b:s4+s3], $0x80, v3, vm0, $0xb8;
	[tilespmem:$0x18100] =	vst v63  }
0xa6: {  	v3 =	vld [tilespmem:$0x80];
	_ =	sdelay $0x4  }
0xa7: {  	v60 =	vshll.u32 v3, $0x2  }
0xa8: {  	v3 =	vand.u32 $0x7, v3;
	v4 =	vand.u32 $0xFFFFFFE0, v60  }
0xa9: {  	v3 =	vor.u32 v3, v4  }
0xaa: {  	v4 =	vperm.xlane v3, v0;
	_ =	sdelay $0x1  }
0xab: {  	v4 =	vadd.s32 v1, v4;
	_ =	sdelay $0x1  }
0xac: {  	v3 =	vperm.xlane v3, v2;
	_ =	sdelay $0x1  }
0xad: {  	v3 =	vadd.s32 v1, v3  }
0xae: {  	[tilespmem:s13], [sflag:$0x1] =	stream.indirect_vreg.gather [hbm4b:s2+s3], $0x80, v4, vm0, $0xb8;
	[tilespmem:$0x18100] =	vst v63  }
0xaf: {  	_ = 	snop  }
0xb0: {  	[tilespmem:s14], [sflag:$0x1] =	stream.indirect_vreg.gather [hbm4b:s4+s3], $0x80, v4, vm0, $0xb8;
	[tilespmem:$0x18100] =	vst v63  }
0xb1: {  	_ = 	snop  }
0xb2: {  	[tilespmem:s15], [sflag:$0x1] =	stream.indirect_vreg.gather [hbm4b:s2+s3], $0x80, v3, vm0, $0xb8;
	[tilespmem:$0x18100] =	vst v63  }
0xb3: {  	_ = 	snop  }
0xb4: {  	[tilespmem:s16], [sflag:$0x1] =	stream.indirect_vreg.gather [hbm4b:s4+s3], $0x80, v3, vm0, $0xb8;
	[tilespmem:$0x18100] =	vst v63  }
0xb5: {  	v3 =	vld [tilespmem:$0x90];
	_ =	sdelay $0x4  }
0xb6: {  	v61 =	vshll.u32 v3, $0x2  }
0xb7: {  	v3 =	vand.u32 $0x7, v3;
	v4 =	vand.u32 $0xFFFFFFE0, v61  }
0xb8: {  	v3 =	vor.u32 v3, v4  }
0xb9: {  	v4 =	vperm.xlane v3, v0;
	_ =	sdelay $0x1  }
0xba: {  	v4 =	vadd.s32 v1, v4;
	_ =	sdelay $0x1  }
0xbb: {  	v3 =	vperm.xlane v3, v2;
	_ =	sdelay $0x1  }
0xbc: {  	v3 =	vadd.s32 v1, v3  }
0xbd: {  	[tilespmem:s17], [sflag:$0x1] =	stream.indirect_vreg.gather [hbm4b:s2+s3], $0x80, v4, vm0, $0xb8;
	[tilespmem:$0x18100] =	vst v63  }
0xbe: {  	_ = 	snop  }
0xbf: {  	[tilespmem:s18], [sflag:$0x1] =	stream.indirect_vreg.gather [hbm4b:s4+s3], $0x80, v4, vm0, $0xb8;
	[tilespmem:$0x18100] =	vst v63  }
0xc0: {  	_ = 	snop  }
0xc1: {  	[tilespmem:s19], [sflag:$0x1] =	stream.indirect_vreg.gather [hbm4b:s2+s3], $0x80, v3, vm0, $0xb8;
	[tilespmem:$0x18100] =	vst v63  }
0xc2: {  	_ = 	snop  }
0xc3: {  	[tilespmem:s20], [sflag:$0x1] =	stream.indirect_vreg.gather [hbm4b:s4+s3], $0x80, v3, vm0, $0xb8;
	[tilespmem:$0x18100] =	vst v63  }
0xc4: {  	v3 =	vld [tilespmem:$0xA0];
	_ =	sdelay $0x4  }
0xc5: {  	v62 =	vshll.u32 v3, $0x2  }
0xc6: {  	v3 =	vand.u32 $0x7, v3;
	v4 =	vand.u32 $0xFFFFFFE0, v62  }
0xc7: {  	v3 =	vor.u32 v3, v4  }
0xc8: {  	v4 =	vperm.xlane v3, v0;
	_ =	sdelay $0x1  }
0xc9: {  	v4 =	vadd.s32 v1, v4;
	_ =	sdelay $0x1  }
0xca: {  	v3 =	vperm.xlane v3, v2;
	_ =	sdelay $0x1  }
0xcb: {  	v3 =	vadd.s32 v1, v3  }
0xcc: {  	[tilespmem:s21], [sflag:$0x1] =	stream.indirect_vreg.gather [hbm4b:s2+s3], $0x80, v4, vm0, $0xb8;
	[tilespmem:$0x18100] =	vst v63  }
0xcd: {  	_ = 	snop  }
0xce: {  	[tilespmem:s22], [sflag:$0x1] =	stream.indirect_vreg.gather [hbm4b:s4+s3], $0x80, v4, vm0, $0xb8;
	[tilespmem:$0x18100] =	vst v63  }
0xcf: {  	_ = 	snop  }
0xd0: {  	[tilespmem:s23], [sflag:$0x1] =	stream.indirect_vreg.gather [hbm4b:s2+s3], $0x80, v3, vm0, $0xb8;
	[tilespmem:$0x18100] =	vst v63  }
0xd1: {  	_ = 	snop  }
0xd2: {  	[tilespmem:s24], [sflag:$0x1] =	stream.indirect_vreg.gather [hbm4b:s4+s3], $0x80, v3, vm0, $0xb8;
	[tilespmem:$0x18100] =	vst v63  }
0xd3: {  	v3 =	vld [tilespmem:$0xB0];
	_ =	sdelay $0x4  }
0xd4: {  	v63 =	vshll.u32 v3, $0x2  }
0xd5: {  	v3 =	vand.u32 $0x7, v3;
	v4 =	vand.u32 $0xFFFFFFE0, v63  }
0xd6: {  	v3 =	vor.u32 v3, v4  }
0xd7: {  	v4 =	vperm.xlane v3, v0;
	_ =	sdelay $0x1  }
0xd8: {  	v4 =	vadd.s32 v1, v4;
	_ =	sdelay $0x1  }
0xd9: {  	v3 =	vperm.xlane v3, v2;
	_ =	sdelay $0x1  }
0xda: {  	v3 =	vadd.s32 v1, v3  }
0xdb: {  	[tilespmem:s25], [sflag:$0x1] =	stream.indirect_vreg.gather [hbm4b:s2+s3], $0x80, v4, vm0, $0xb8;
	[tilespmem:$0x18100] =	vst v63  }
0xdc: {  	_ = 	snop  }
0xdd: {  	[tilespmem:s26], [sflag:$0x1] =	stream.indirect_vreg.gather [hbm4b:s4+s3], $0x80, v4, vm0, $0xb8;
	[tilespmem:$0x18100] =	vst v63  }
0xde: {  	_ = 	snop  }
0xdf: {  	[tilespmem:s28], [sflag:$0x1] =	stream.indirect_vreg.gather [hbm4b:s2+s3], $0x80, v3, vm0, $0xb8;
	[tilespmem:$0x18100] =	vst v63  }
0xe0: {  	_ = 	snop  }
0xe1: {  	[tilespmem:s29], [sflag:$0x1] =	stream.indirect_vreg.gather [hbm4b:s4+s3], $0x80, v3, vm0, $0xb8;
	[tilespmem:$0x18100] =	vst v63  }
0xe2: {  	_ =	swait.ge [sflag:s30], $0x18000  }
0xe3: {  	p0 =	sne.s32 s0, $0xA8;
	[sflag:s30] =	ssyncset.done $0x0  }
.Ltmp0:
0xe4: {  	[sflag:s30] =	ssyncadd.s32 $0xFFFE8000;
	(pc) =	sbr.rel @p0 .LBB2_2-.Ltmp0, $4  }
0xe5: {  	[hbm4b:s6+s3] =	stream.linear.scatter [tilespmem:s8], [sflag:$0x2], $0x18000, $0x38;
	[tilespmem:$0x18100] =	vst v63  }
0xe6: {  	_ =	swait.ge [sflag:s7], $0x18000  }
0xe7: {  	[sflag:s7] =	ssyncset.done $0x0  }
0xe8: {  	s0 =	sadd.s32 $0x18, s0;
	s6 =	sadd.s32 $0x3000, s6;
	[sflag:s7] =	ssyncadd.s32 $0xFFFE8000  }
0xe9: {  	s0 =	sld [smem:$0x7FC];
	_ =	sdelay $0x1  }
0xea: {  	s31 =	sadd.s32 $0x1, s31  }
0xeb: {  	p0 =	sne.s32 s31, s0  }
.Ltmp1:
0xec: {  	_ = 	snop;
	(pc) =	sbr.rel @p0 .LBB2_1-.Ltmp1, $1  }
0xed: {  	_ =	sdelay $0x3  }
0xee: {  	_ =	sfence.sel $0x180000  }
0xef: {  	[bflag:$0x0] =	sbarrier.arrive $0xFFFF  }
0xf0: {  	_ =	strace $0x90000047  }
0xf1: {  	s0 =	stileid.u32;
	[bflag:$0x2] =	sbarrier.arrive $0xFFFF  }
0xf2: {  	p0 =	sne.s32 s0, $0x0;
	s0 =	rddreg [dreg:$0x3]  }
0xf3: {  	s0 =	sadd.s32 @!p0 $0x100000, s0  }
0xf4: {  	[sflag:s0] =	ssyncadd.tile.s32 @!p0 $0x1;
	_ =	shalt  }
.Lfunc_end2:
_tile_overlayer_lowered:
.L_overlay_start_2:
0xf5: {  	(tag) =	ssettag $0x2  }
0xf6: {  	s0 =	rddreg [dreg:$0x0];
	s2 =	stileid.u32  }
0xf7: {  	s1 =	rddreg [dreg:$0x1];
	p0 =	sne.s32 s2, $0x0  }
0xf8: {  	s3 =	rddreg [dreg:$0x2];
	[bflag:$0x3] =	sbarrier.arrive $0xFFFF;
	s2 =	simm.s32 @!p0 $0x1C02  }
0xf9: {  	[timem:s3], [sflag:s2] =	dma.local @!p0 [hbm:s0], s1  }
0xfa: {  	s0 =	simm.s32 @!p0 $0x2  }
0xfb: {  	_ =	swait.ge @!p0 [sflag:s0], s1  }
0xfc: {  	s1 =	ssub.s32 @!p0 $0x0, s1;
	[sflag:s0] =	ssyncset.done @!p0 $0x0  }
0xfd: {  	[sflag:s0] =	ssyncadd.s32 @!p0 s1  }
0xfe: {  	[bflag:$0x3] =	sbarrier.arrive $0xFFFF  }
0xff: {  	_ =	shalt  }

</sc_bundles>
